<compile_context>
chip_gen: v7x
topology: tpu7x:2x2x1
jax: 0.10.2.dev20260603
libtpu: 0.0.44.dev20260713+nightly
codegen_flags: <defaults>
</compile_context>

<pallas_src>
import functools

import jax
import jax.numpy as jnp
import numpy as np
from jax import lax
from jax.experimental import pallas as pl
from jax.experimental.pallas import tpu as pltpu
from jax.experimental.pallas import tpu_sc as plsc

SENSOR_COUNT = 4096
_B, _C, _D0, _D1 = 64, 2, 512, 512
_PLANES = _B * _C
_PLANE = _D0 * _D1
_NW = 32
_PPW = _PLANES // _NW
_SPW = SENSOR_COUNT * _PPW
_ZW = 65536
_ZPW = _PLANE * _PPW // _ZW


def _precompute():
    with jax.default_device(jax.local_devices(backend="cpu")[0]):
        perm = jax.random.permutation(jax.random.key(42), _D0 * _D1)
        dim_inds = np.asarray(perm[:SENSOR_COUNT]).astype(np.int32)

    n = SENSOR_COUNT * _B
    d0i = dim_inds // _D1
    d1i = dim_inds % _D1
    r = np.arange(2 * n, dtype=np.int32)
    indices = np.stack(
        [(r % n) // SENSOR_COUNT, r // n,
         np.tile(d0i, 2 * _B), np.tile(d1i, 2 * _B)], axis=1)

    plane_off = (np.arange(_PLANES, dtype=np.int32) * _PLANE)[:, None]
    gidx = (plane_off + dim_inds[None, :]).reshape(_NW, _SPW)
    return indices, gidx


_INDICES, _GIDX = _precompute()
_ZCONST = np.zeros((_ZW,), np.float32)

_mesh = plsc.VectorSubcoreMesh(core_axis_name="c", subcore_axis_name="s",
                               num_cores=2, num_subcores=16)


@functools.partial(
    pl.kernel,
    out_type=jax.ShapeDtypeStruct((_PLANES * _PLANE,), jnp.float32),
    mesh=_mesh,
    scratch_types=[
        pltpu.VMEM((_SPW,), jnp.int32),
        pltpu.VMEM((_SPW,), jnp.float32),
        pltpu.VMEM((_ZW,), jnp.float32),
        pltpu.SemaphoreType.DMA,
        pltpu.SemaphoreType.DMA,
    ],
)
def _sc_kernel(x_hbm, gidx_hbm, zeros_hbm, out_hbm, idx_v, vals_v, zero_v,
               gsem, zsem):
    wid = lax.axis_index("s") * 2 + lax.axis_index("c")
    pltpu.sync_copy(gidx_hbm.at[wid], idx_v)
    gather = pltpu.async_copy(x_hbm.at[idx_v], vals_v, gsem)
    pltpu.sync_copy(zeros_hbm, zero_v)
    gather.wait()
    pltpu.async_copy(vals_v, out_hbm.at[idx_v], gsem).wait()


def _copy_body(i_ref, o_ref):
    o_ref[...] = i_ref[...]


def kernel(data_batch):
    b, c, d0, d1 = data_batch.shape
    x = data_batch.reshape(-1)
    out = _sc_kernel(x, jnp.asarray(_GIDX), jnp.asarray(_ZCONST))
    values = out.reshape(b, c, d0, d1)

    ind2d = jnp.asarray(_INDICES.reshape(16384, 128))
    indices = pl.pallas_call(
        _copy_body,
        grid=(4,),
        in_specs=[pl.BlockSpec((4096, 128), lambda i: (i, 0))],
        out_specs=pl.BlockSpec((4096, 128), lambda i: (i, 0)),
        out_shape=jax.ShapeDtypeStruct((16384, 128), jnp.int32),
    )(ind2d).reshape(2 * SENSOR_COUNT * b, 4)
    return values, indices

# --- scband reference (transcript-rebuilt; emitter-appended) ---
"""Pipeline reference for scband-darcy-random-70772471104009 (READ-ONLY COPY).

The authoritative reference and input builder live on the scoring server;
editing this copy changes nothing except your own understanding.
"""

import jax, jax.numpy as jnp
import numpy as np

SENSORS = 4096


def setup_inputs(seed: int = 0) -> dict:
    key = jax.random.key(seed)
    data_batch = jax.random.normal(key, (64, 2, 512, 512), dtype=jnp.float32)
    return {"data_batch": data_batch}


def reference(data_batch):
    sensors = SENSORS
    batch_size, channels, dim0, dim1 = data_batch.shape
    n = sensors * batch_size

    batch_inds = jnp.repeat(jnp.arange(batch_size, dtype=jnp.int32), sensors)

    x0 = jnp.arange(dim0, dtype=jnp.int32)
    x1 = jnp.arange(dim1, dtype=jnp.int32)
    g0, g1 = jnp.meshgrid(x0, x1, indexing='ij')
    combined = jnp.stack((g0, g1), axis=2).reshape(-1, 2)

    # torch.randperm(dim0*dim1)[:sensors] -> deterministic jax permutation
    perm_key = jax.random.key(42)
    dim_inds = jax.random.permutation(perm_key, dim0 * dim1)[:sensors].astype(jnp.int32)
    dim_inds = jnp.tile(dim_inds, batch_size)

    dim0_inds = combined[dim_inds, 0]
    dim1_inds = combined[dim_inds, 1]

    indices = jnp.zeros((2 * n, 4), dtype=jnp.int32)
    indices = indices.at[:n, 0].set(batch_inds)
    indices = indices.at[:n, 1].set(0)
    indices = indices.at[:n, 2].set(dim0_inds)
    indices = indices.at[:n, 3].set(dim1_inds)
    indices = indices.at[n:, 0].set(batch_inds)
    indices = indices.at[n:, 1].set(1)
    indices = indices.at[n:, 2].set(dim0_inds)
    indices = indices.at[n:, 3].set(dim1_inds)

    gathered = data_batch[indices[:, 0], indices[:, 1], indices[:, 2], indices[:, 3]]
    values = jnp.zeros_like(data_batch)
    values = values.at[indices[:, 0], indices[:, 1], indices[:, 2], indices[:, 3]].set(gathered)
    return values, indices

if __name__ == "__main__":
    import jax
    _d = setup_inputs()
    print(jax.jit(kernel)(*tuple(_d.values())))

</pallas_src>

<mosaic_0001>
#map = affine_map<(d0, d1) -> (0)>
#map1 = affine_map<(d0, d1) -> (0, 0)>
module attributes {stable_mosaic.version = 14 : i64} {
  func.func @_sc_kernel(%arg0: i32, %arg1: i32, %arg2: memref<33554432xf32, #tpu.memory_space<hbm>>, %arg3: memref<32x16384xi32, #tpu.memory_space<hbm>>, %arg4: memref<65536xf32, #tpu.memory_space<hbm>>, %arg5: memref<33554432xf32, #tpu.memory_space<hbm>>, %arg6: memref<16384xi32, #tpu.memory_space<vmem>>, %arg7: memref<16384xf32, #tpu.memory_space<vmem>>, %arg8: memref<65536xf32, #tpu.memory_space<vmem>>, %arg9: memref<!tpu.dma_semaphore, #tpu.memory_space<semaphore_mem>>, %arg10: memref<!tpu.dma_semaphore, #tpu.memory_space<semaphore_mem>>) attributes {dimension_semantics = [#tpu.dimension_semantics<core_parallel>, #tpu.dimension_semantics<subcore_parallel>], iteration_bounds = array<i64: 2, 16>, scalar_prefetch = 0 : i64, scratch_operands = 5 : i64, tpu.core_type = #tpu.core_type<sc_vector_subcore>, window_params = [{transform_indices = #map}, {transform_indices = #map1}, {transform_indices = #map}, {transform_indices = #map}]} {
    %mul3A = arith.constant 2 : i32
    %mul3A_0 = arith.muli %arg1, %mul3A : i32
    %add3A = arith.addi %mul3A_0, %arg0 : i32
    "tpu.region"() ({
      %run_scoped3A = tpu.sem_alloc : memref<!tpu.dma_semaphore, #tpu.memory_space<semaphore_mem>>
      %dma_start3A_7 = arith.constant 0 : i32
      %dma_start3A_8 = tpu.memref_slice %arg3[%add3A, %dma_start3A_7] : memref<32x16384xi32, #tpu.memory_space<hbm>> -> memref<1x16384xi32, #tpu.memory_space<hbm>>
      %dma_start3A_9 = tpu.memref_squeeze %dma_start3A_8 : memref<1x16384xi32, #tpu.memory_space<hbm>> -> memref<16384xi32, #tpu.memory_space<hbm>>
      %dma_start3A_10 = arith.constant 0 : i32
      %dma_start3A_11 = tpu.memref_slice %arg3[%add3A, %dma_start3A_10] : memref<32x16384xi32, #tpu.memory_space<hbm>> -> memref<1x16384xi32, #tpu.memory_space<hbm>>
      %dma_start3A_12 = tpu.memref_squeeze %dma_start3A_11 : memref<1x16384xi32, #tpu.memory_space<hbm>> -> memref<16384xi32, #tpu.memory_space<hbm>>
      tpu.enqueue_dma source(%dma_start3A_12 : memref<16384xi32, #tpu.memory_space<hbm>>) target(%arg6 : memref<16384xi32, #tpu.memory_space<vmem>>) target_semaphore(%run_scoped3A : memref<!tpu.dma_semaphore, #tpu.memory_space<semaphore_mem>>)
      %dma_wait3A_13 = arith.constant 0 : i32
      %dma_wait3A_14 = tpu.memref_slice %arg3[%add3A, %dma_wait3A_13] : memref<32x16384xi32, #tpu.memory_space<hbm>> -> memref<1x16384xi32, #tpu.memory_space<hbm>>
      %dma_wait3A_15 = tpu.memref_squeeze %dma_wait3A_14 : memref<1x16384xi32, #tpu.memory_space<hbm>> -> memref<16384xi32, #tpu.memory_space<hbm>>
      %dma_wait3A_16 = arith.constant 0 : i32
      %dma_wait3A_17 = tpu.memref_slice %arg3[%add3A, %dma_wait3A_16] : memref<32x16384xi32, #tpu.memory_space<hbm>> -> memref<1x16384xi32, #tpu.memory_space<hbm>>
      %dma_wait3A_18 = tpu.memref_squeeze %dma_wait3A_17 : memref<1x16384xi32, #tpu.memory_space<hbm>> -> memref<16384xi32, #tpu.memory_space<hbm>>
      tpu.wait_dma2 semaphore(%run_scoped3A : memref<!tpu.dma_semaphore, #tpu.memory_space<semaphore_mem>>) src(%dma_wait3A_18 : memref<16384xi32, #tpu.memory_space<hbm>>) dst(%arg6 : memref<16384xi32, #tpu.memory_space<vmem>>)
      tpu.yield
    }) : () -> ()
    %dma_start3A = arith.constant 0 : i32
    %dma_start3A_1 = tpu.memref_slice %arg2[%dma_start3A] : memref<33554432xf32, #tpu.memory_space<hbm>> -> memref<33554432xf32, #tpu.memory_space<hbm>>
    tpu.enqueue_indirect_dma source(%dma_start3A_1 : memref<33554432xf32, #tpu.memory_space<hbm>>) target(%arg7 : memref<16384xf32, #tpu.memory_space<vmem>>) offsets(%arg6 : memref<16384xi32, #tpu.memory_space<vmem>>) semaphore(%arg9 : memref<!tpu.dma_semaphore, #tpu.memory_space<semaphore_mem>>)
    "tpu.region"() ({
      %run_scoped3A = tpu.sem_alloc : memref<!tpu.dma_semaphore, #tpu.memory_space<semaphore_mem>>
      tpu.enqueue_dma source(%arg4 : memref<65536xf32, #tpu.memory_space<hbm>>) target(%arg8 : memref<65536xf32, #tpu.memory_space<vmem>>) target_semaphore(%run_scoped3A : memref<!tpu.dma_semaphore, #tpu.memory_space<semaphore_mem>>)
      tpu.wait_dma2 semaphore(%run_scoped3A : memref<!tpu.dma_semaphore, #tpu.memory_space<semaphore_mem>>) src(%arg4 : memref<65536xf32, #tpu.memory_space<hbm>>) dst(%arg8 : memref<65536xf32, #tpu.memory_space<vmem>>)
      tpu.yield
    }) : () -> ()
    %dma_wait3A = arith.constant 0 : i32
    %dma_wait3A_2 = tpu.memref_slice %arg2[%dma_wait3A] : memref<33554432xf32, #tpu.memory_space<hbm>> -> memref<33554432xf32, #tpu.memory_space<hbm>>
    tpu.wait_indirect_dma semaphore(%arg9 : memref<!tpu.dma_semaphore, #tpu.memory_space<semaphore_mem>>) src(%dma_wait3A_2 : memref<33554432xf32, #tpu.memory_space<hbm>>) dst(%arg7 : memref<16384xf32, #tpu.memory_space<vmem>>)
    %dma_start3A_3 = arith.constant 0 : i32
    %dma_start3A_4 = tpu.memref_slice %arg5[%dma_start3A_3] : memref<33554432xf32, #tpu.memory_space<hbm>> -> memref<33554432xf32, #tpu.memory_space<hbm>>
    tpu.enqueue_indirect_dma source(%arg7 : memref<16384xf32, #tpu.memory_space<vmem>>) target(%dma_start3A_4 : memref<33554432xf32, #tpu.memory_space<hbm>>) offsets(%arg6 : memref<16384xi32, #tpu.memory_space<vmem>>) semaphore(%arg9 : memref<!tpu.dma_semaphore, #tpu.memory_space<semaphore_mem>>)
    %dma_wait3A_5 = arith.constant 0 : i32
    %dma_wait3A_6 = tpu.memref_slice %arg5[%dma_wait3A_5] : memref<33554432xf32, #tpu.memory_space<hbm>> -> memref<33554432xf32, #tpu.memory_space<hbm>>
    tpu.wait_indirect_dma semaphore(%arg9 : memref<!tpu.dma_semaphore, #tpu.memory_space<semaphore_mem>>) src(%arg7 : memref<16384xf32, #tpu.memory_space<vmem>>) dst(%dma_wait3A_6 : memref<33554432xf32, #tpu.memory_space<hbm>>)
    return
  }
}

module attributes {stable_mosaic.version = 14 : i64} {
  func.func @_copy_body(%arg0: i32, %arg1: memref<4096x128xi32, #tpu.memory_space<vmem>>, %arg2: memref<4096x128xi32, #tpu.memory_space<vmem>>) attributes {dimension_semantics = [#tpu.dimension_semantics<arbitrary>], iteration_bounds = array<i64: 4>, scalar_prefetch = 0 : i64, scratch_operands = 0 : i64, tpu.core_type = #tpu.core_type<tc>, window_params = [{transform_indices = @transform_0, window_bounds = array<i64: 4096, 128>}, {transform_indices = @transform_1, window_bounds = array<i64: 4096, 128>}]} {
    %get3A = arith.constant 0 : index
    %get3A_0 = arith.constant 0 : index
    %get3A_1 = vector.load %arg1[%get3A, %get3A_0] : memref<4096x128xi32, #tpu.memory_space<vmem>>, vector<4096x128xi32>
    %swap3A = arith.constant 0 : index
    %swap3A_2 = arith.constant 0 : index
    %swap3A_3 = vector.load %arg2[%swap3A, %swap3A_2] : memref<4096x128xi32, #tpu.memory_space<vmem>>, vector<4096x128xi32>
    tpu.vector_store %arg2[%swap3A, %swap3A_2], %get3A_1 {strides = array<i32>} : memref<4096x128xi32, #tpu.memory_space<vmem>>, vector<4096x128xi32>,
    return
  }
  func.func @transform_0(%arg0: i32) -> (i32, i32) {
    %c0_i32 = arith.constant 0 : i32
    %c0_i32_0 = arith.constant 0 : i32
    return %arg0, %c0_i32 : i32, i32
  }
  func.func @transform_1(%arg0: i32) -> (i32, i32) {
    %c0_i32 = arith.constant 0 : i32
    %c0_i32_0 = arith.constant 0 : i32
    return %arg0, %c0_i32 : i32, i32
  }
}

</mosaic_0001>

<sc_bundles>
// kernel: kernel.4.cloned.1.call-start
scs
__scs_entry_jumppad:
0x0: {  	(pc) =	sbr.rel $0x88, $3  }
0x1: {  	(tag) =	ssettag $0x0;
	lr =	simm.s32 $0x1  }
0x2: {  	[smem:$0x3FA0] =	sst lr;
	_ =	strace $0xD0000000  }
0x3: {  	_ = 	snop  }
0x4: {  	_ = 	snop  }
0x5: {  	_ = 	snop  }
0x6: {  	_ = 	snop  }
0x7: {  	_ = 	snop  }
__scs_overlays_trampoline_lowered:
0x8: {  	[smem:$0x3FAF] =	sst s0  }
0x9: {  	[smem:$0x3FB0] =	sst s1  }
0xa: {  	[smem:$0x3FB1] =	sst s2  }
0xb: {  	[smem:$0x3FB2] =	sst s3  }
0xc: {  	[smem:$0x3FB3] =	sst s4  }
0xd: {  	[smem:$0x3FB4] =	sst s5  }
0xe: {  	[smem:$0x3FB5] =	sst s6  }
0xf: {  	[smem:$0x3FB6] =	sst s7  }
0x10: {  	[smem:$0x3FB7] =	sst s8  }
0x11: {  	[smem:$0x3FB8] =	sst s9;
	s0 =	simm.s32 @!p0 $0x0  }
0x12: {  	s1 =	sld [smem:$0x3F9E];
	s0 =	simm.s32 @p0 $0x1  }
0x13: {  	[smem:$0x3FB9] =	sst s0;
	s0 =	simm.s32 @!p1 $0x0  }
0x14: {  	s2 =	sld [smem:$0x3F9D];
	s0 =	simm.s32 @p1 $0x1  }
0x15: {  	[smem:$0x3FBA] =	sst s0;
	s0 =	simm.s32 @!p2 $0x0  }
0x16: {  	s3 =	sld [smem:$0x3FDB];
	s0 =	simm.s32 @p2 $0x1  }
0x17: {  	s4 =	simm.s32 $0x1BF5;
	[smem:$0x3FBC] =	sst s0  }
0x18: {  	s0 =	sld [smem:$0x3F9F];
	_ =	swait.ge [sflag:s4], $0x0  }
0x19: {  	s7 =	sld [smem:$0x3FA0]  }
0x1a: {  	s8 =	sadd.s32 $0xFFFFE003, lr  }
0x1b: {  	s9 =	sadd.s32 $0xFFFFFEF7, lr;
	s5 =	simm.s32 $0xFFFFFFFF;
	p2 =	slt.u32 s8, $0xFFFFF086  }
0x1c: {  	p1 =	slt.u32 s9, $0xF7A;
	s5 =	simm.s32 @!p2 $0x0  }
0x1d: {  	s5 =	simm.s32 @p1 $0x1;
	p0 =	seq.s32 s7, s2  }
0x1e: {  	s7 =	smul.u32 @!p0 $0xF7A, s2;
	p2 =	seq.s32 @!p0 s5, $0x0  }
0x1f: {  	s9 =	smul.u32 $0xF7A, s1;
	s8 =	simm.s32 @!p0 $0x1BF5;
	p2 =	por !p2, p0  }
0x20: {  	[sflag:s8] =	ssyncset.s32 @!p0 $0xFFFFF086;
	s6 =	sadd.s32 @!p0 s3, s7;
	s7 =	simm.s32 @!p0 $0x108  }
0x21: {  	s3 =	sadd.s32 s3, s9;
	s6 =	sadd.s32 @!p0 $0x88, s6;
	s7 =	simm.s32 @p2 $0x1082  }
0x22: {  	[simem:s7], [sflag:s8] =	dma.local @!p0 [hbm:s6], $0xF7A  }
0x23: {  	s9 =	sor.u32 $0xD0000000, s2;
	s6 =	simm.s32 $0x108;
	_ =	swait.ge @!p0 [sflag:s8], $0x0  }
0x24: {  	s3 =	sadd.s32 $0x88, s3;
	s6 =	simm.s32 @!p1 $0x1082;
	[sflag:s4] =	ssyncset.s32 $0xFFFFF086  }
0x25: {  	[simem:s6], [sflag:s4] =	dma.local [hbm:s3], $0xF7A  }
0x26: {  	[smem:$0x3FA0] =	sst s1;
	(tag) =	ssettag s2;
	_ =	strace s9  }
0x27: {  	s1 =	sld [smem:$0x3FB0]  }
0x28: {  	s2 =	sld [smem:$0x3FB1]  }
0x29: {  	s4 =	sld [smem:$0x3FB3]  }
0x2a: {  	p0 =	seq.s32 s5, $0x0;
	s5 =	sld [smem:$0x3FB4]  }
0x2b: {  	s6 =	sld [smem:$0x3FB5]  }
0x2c: {  	s7 =	sld [smem:$0x3FB6]  }
0x2d: {  	s3 =	simm.s32 $0x108;
	s8 =	sld [smem:$0x3FB7]  }
0x2e: {  	s3 =	simm.s32 @!p0 $0x1082;
	s9 =	sld [smem:$0x3FB8]  }
0x2f: {  	lr =	sadd.s32 s0, s3;
	s0 =	sld [smem:$0x3FAF]  }
0x30: {  	s3 =	sld [smem:$0x3FB2]  }
0x31: {  	[smem:$0x3FBB] =	sst s10  }
0x32: {  	s10 =	sld [smem:$0x3FB9];
	_ =	sdelay $0x3  }
0x33: {  	p0 =	seq.s32 s10, $0x1;
	s10 =	sld [smem:$0x3FBB];
	_ =	sdelay $0x3  }
0x34: {  	[smem:$0x3FBB] =	sst s10  }
0x35: {  	s10 =	sld [smem:$0x3FBA];
	_ =	sdelay $0x3  }
0x36: {  	p1 =	seq.s32 s10, $0x1;
	s10 =	sld [smem:$0x3FBB];
	_ =	sdelay $0x3  }
0x37: {  	[smem:$0x3FBB] =	sst s10  }
0x38: {  	s10 =	sld [smem:$0x3FBC]  }
0x39: {  	_ = 	snop;
	(pc) =	sbr.ind lr, $3  }
0x3a: {  	_ = 	snop  }
0x3b: {  	_ = 	snop  }
0x3c: {  	p2 =	seq.s32 s10, $0x1;
	s10 =	sld [smem:$0x3FBB]  }
0x3d: {  	_ =	shalt  }
0x3e: {  	_ =	shalt  }
0x3f: {  	_ =	shalt  }
0x40: {  	_ =	shalt  }
0x41: {  	_ =	shalt  }
0x42: {  	_ =	shalt  }
0x43: {  	_ =	shalt  }
0x44: {  	_ =	shalt  }
0x45: {  	_ =	shalt  }
0x46: {  	_ =	shalt  }
0x47: {  	_ =	shalt  }
0x48: {  	_ =	shalt  }
0x49: {  	_ =	shalt  }
0x4a: {  	_ =	shalt  }
0x4b: {  	_ =	shalt  }
0x4c: {  	_ =	shalt  }
0x4d: {  	_ =	shalt  }
0x4e: {  	_ =	shalt  }
0x4f: {  	_ =	shalt  }
0x50: {  	_ =	shalt  }
0x51: {  	_ =	shalt  }
0x52: {  	_ =	shalt  }
0x53: {  	_ =	shalt  }
0x54: {  	_ =	shalt  }
0x55: {  	_ =	shalt  }
0x56: {  	_ =	shalt  }
0x57: {  	_ =	shalt  }
0x58: {  	_ =	shalt  }
0x59: {  	_ =	shalt  }
0x5a: {  	_ =	shalt  }
0x5b: {  	_ =	shalt  }
0x5c: {  	_ =	shalt  }
0x5d: {  	_ =	shalt  }
0x5e: {  	_ =	shalt  }
0x5f: {  	_ =	shalt  }
0x60: {  	_ =	shalt  }
0x61: {  	_ =	shalt  }
0x62: {  	_ =	shalt  }
0x63: {  	_ =	shalt  }
0x64: {  	_ =	shalt  }
0x65: {  	_ =	shalt  }
0x66: {  	_ =	shalt  }
0x67: {  	_ =	shalt  }
0x68: {  	_ =	shalt  }
0x69: {  	_ =	shalt  }
0x6a: {  	_ =	shalt  }
0x6b: {  	_ =	shalt  }
0x6c: {  	_ =	shalt  }
0x6d: {  	_ =	shalt  }
0x6e: {  	_ =	shalt  }
0x6f: {  	_ =	shalt  }
0x70: {  	_ =	shalt  }
0x71: {  	_ =	shalt  }
0x72: {  	_ =	shalt  }
0x73: {  	_ =	shalt  }
0x74: {  	_ =	shalt  }
0x75: {  	_ =	shalt  }
0x76: {  	_ =	shalt  }
0x77: {  	_ =	shalt  }
0x78: {  	_ =	shalt  }
0x79: {  	_ =	shalt  }
0x7a: {  	_ =	shalt  }
0x7b: {  	_ =	shalt  }
0x7c: {  	_ =	shalt  }
0x7d: {  	_ =	shalt  }
0x7e: {  	_ =	shalt  }
0x7f: {  	_ =	shalt  }
0x80: {  	_ =	shalt  }
0x81: {  	_ =	shalt  }
0x82: {  	_ =	shalt  }
0x83: {  	_ =	shalt  }
0x84: {  	_ =	shalt  }
0x85: {  	_ =	shalt  }
0x86: {  	_ =	shalt  }
0x87: {  	_ =	shalt  }
.Lfunc_end0:
.L_simem_size_0:
called_computation.1_lowered:
.L_overlay_start_0:
0x88: {  	s2 =	sld [smem:$0x3FD9]  }
0x89: {  	s3 =	sld [smem:$0x3FFE];
	_ =	sdelay $0x1  }
0x8a: {  	s1 =	srdreg.scid  }
0x8b: {  	s0 =	sand.u32 $0x1, s1  }
0x8c: {  	s14 =	sshll.u32 s0, $0xA;
	s2 =	sadd.s32 s3, s2  }
0x8d: {  	s2 =	sadd.s32 s2, s14  }
0x8e: {  	[smem:$0x3FC7] =	sst s2  }
0x8f: {  	_ = 	snop  }
0x90: {  	s2 =	sld [smem:$0x3FD0];
	_ =	sdelay $0x2  }
0x91: {  	s15 =	simm.s32 $0xA;
	s4 =	simm.s32 $0x10  }
0x92: {  	[smem:s4], [sflag:s15] =	dma.local [hbm:s2], $0x1  }
0x93: {  	_ =	swait.eq [sflag:s15], $0x1  }
0x94: {  	[sflag:s15] =	ssyncset.done $0x0  }
0x95: {  	[sflag:s15] =	ssyncadd.s32 $0xFFFFFFFF  }
0x96: {  	s16 =	sld [smem:$0x10];
	(tm) =	ssettm $0x1  }
0x97: {  	s17 =	sld [smem:$0x3FFB];
	_ =	sdelay $0x3  }
0x98: {  	_ =	strace s17  }
0x99: {  	s3 =	sld [smem:$0x3FFC];
	_ =	sdelay $0x3  }
0x9a: {  	_ =	strace s3  }
0x9b: {  	s3 =	sld [smem:$0x3FFD];
	_ =	sdelay $0x3  }
0x9c: {  	_ =	strace s3  }
0x9d: {  	_ =	strace $0x8FFFFFFF  }
0x9e: {  	s18 =	sld [smem:$0x3FDB];
	_ =	sdelay $0x1  }
0x9f: {  	s19 =	simm.s32 $_scs_section_size  }
0xa0: {  	s5 =	simm.s32 $_size__tile_overlayer_lowered;
	s6 =	simm.s32 $_tile_overlayer_lowered  }
0xa1: {  	s22 =	simm.s32 $0x1BFF;
	s21 =	sshll.u32 s6, $0x1;
	s3 =	sadd.s32 s19, s18  }
0xa2: {  	s7 =	simm.s32 $0x0;
	s20 =	sshll.u32 s5, $0x1;
	s5 =	sadd.s32 s21, s3  }
0xa3: {  	[timem:s7], [sflag:s22] =	dma.local [hbm:s5], s20  }
0xa4: {  	_ =	swait.ge [sflag:s22], s20  }
0xa5: {  	s4 =	ssub.s32 $0x0, s20;
	[sflag:s22] =	ssyncset.done $0x0  }
0xa6: {  	[sflag:s22] =	ssyncadd.s32 s4;
	_ =	sdelay $0x1  }
0xa7: {  	s23 =	simm.s32 $0x1B8B  }
0xa8: {  	_ =	swait.ge [sflag:s23], $0x1  }
0xa9: {  	[sflag:s23] =	ssyncset.done $0x0  }
0xaa: {  	s25 =	simm.s32 $0x1B8E;
	s24 =	sld [smem:$0x3FFE];
	[sflag:s23] =	ssyncadd.s32 $0xFFFFFFFF  }
0xab: {  	s26 =	simm.s32 $execute0_lowered;
	[smem:$0x3FD2] =	sst s25  }
0xac: {  	s5 =	sshll.u32 s26, $0x1;
	_ =	strace $0x80000049;
	[dreg:$0x1] =	wrdreg $0xFFFFFFFF  }
0xad: {  	s28 =	simm.s32 $_size_execute0_lowered;
	s3 =	sadd.s32 s3, s5;
	[dreg:$0x0] =	wrdreg $0x0  }
0xae: {  	s5 =	sshll.u32 s28, $0x1;
	[dreg:$0x2] =	wrdreg s3  }
0xaf: {  	[dreg:$0x3] =	wrdreg s5  }
0xb0: {  	[dreg:$0x4] =	wrdreg $0xC0  }
0xb1: {  	_ =	task [dreg:s7], $0x5FFFF  }
0xb2: {  	[dreg:$0x1] =	wrdreg $0xFFFFFFFF  }
0xb3: {  	[dreg:$0x0] =	wrdreg $0x60  }
0xb4: {  	[dreg:$0x2] =	wrdreg s16  }
0xb5: {  	[dreg:$0x3] =	wrdreg s24  }
0xb6: {  	[dreg:$0x4] =	wrdreg $0x9  }
0xb7: {  	_ =	task.clear_ibuf [dreg:s7], $0x5FFFF;
	_ =	strace $0x90000049  }
0xb8: {  	s29 =	simm.s32 $0x9;
	_ =	strace $0x8000004B  }
0xb9: {  	_ =	swait.ge [sflag:s29], $0x1  }
0xba: {  	[sflag:s29] =	ssyncadd.s32 $0xFFFFFFFF  }
0xbb: {  	_ =	strace $0x9000004B  }
0xbc: {  	_ =	sfence  }
0xbd: {  	s30 =	sld [smem:$0x0];
	_ =	sdelay $0x2  }
0xbe: {  	s31 =	sshll.u32 s1, $0xD;
	s1 =	sshrl.u32 s1, $0x2  }
0xbf: {  	s3 =	sand.u32 $0x4000, s31;
	s1 =	sadd.s32 s1, s30  }
0xc0: {  	s0 =	sor.u32 s3, s0;
	s1 =	sshll.u32 s1, $0x11  }
0xc1: {  	s0 =	sor.u32 s1, s0  }
0xc2: {  	s0 =	sadd.s32 $0x8F2B, s0  }
0xc3: {  	[sflag:s0] =	ssyncadd.remote.s32 $0x1  }
0xc4: {  	_ =	sfence.sel $0xFFFF  }
0xc5: {  	[dreg:$0x0] =	wrdreg $0xFFFFFFFF;
	(pc) =	sbr.abs _section_cstart, $3  }
0xc6: {  	[dreg:$0x1] =	wrdreg $0xFFFFFFFF  }
0xc7: {  	_ =	task.clear_ibuf [dreg:s7], $0x2FFFF;
	_ =	strace $0x9FFFFFFF  }
0xc8: {  	(tm) =	ssettm $0x7FFFFFFF  }
0xc9: {  	_ =	shalt  }
tec
execute0_lowered:
.L_overlay_start_1:
0x0: {  	(tag) =	ssettag $0x1  }
0x1: {  	s2 =	rddreg [dreg:$0x0]  }
0x2: {  	s0 =	srdreg.scid;
	s12 =	rddreg [dreg:$0x1]  }
0x3: {  	s1 =	stileid.u32;
	s7 =	simm.s32 $0x2;
	s11 =	sand.u32 $0x1, s0  }
0x4: {  	s0 =	rddreg [dreg:$0x2];
	s4 =	sshll.u32 s1, $0x5;
	s3 =	sshll.u32 s11, $0x4  }
0x5: {  	s6 =	sshll.u32 s1, $0xC;
	s4 =	sand.u32 $0x60, s4;
	s5 =	sadd.s32 s3, s12  }
0x6: {  	s6 =	sand.u32 $0xC000, s6;
	s3 =	simm.s32 $0x0;
	s4 =	sadd.s32 s4, s5  }
0x7: {  	[smem:$0x7FF] =	sst s3;
	s5 =	simm.s32 $0x80;
	s4 =	sadd.s32 s6, s4  }
0x8: {  	_ =	strace $0x8000004A;
	s6 =	simm.s32 $0x400;
	s4 =	sadd.s32 $0xC00, s4  }
0x9: {  	[tilespmem:s3], [sflag:$0x2] =	stream.strided.gather [hbm4b:s4+s5], $0x4000, s6, s5, $0x38;
	[tilespmem:$0x18000] =	vst v63  }
0xa: {  	_ =	swait.ge [sflag:s7], $0x4000  }
0xb: {  	[sflag:s7] =	ssyncset.done $0x0  }
0xc: {  	s8 =	simm.s32 $0x4000;
	[sflag:s7] =	ssyncadd.s32 $0xFFFFC000  }
0xd: {  	[tilespmem:s8], [sflag:$0x1] =	stream.indirect.gather [hbm4b:s2+s8], $0x1, s3, s8, $0xb8;
	[tilespmem:$0x18000] =	vst v63  }
0xe: {  	s10 =	simm.s32 $0x8000;
	s9 =	sadd.s32 $0x10C00, s12;
	s13 =	ssub.s32 $0x2, s11  }
0xf: {  	[tilespmem:s10], [sflag:$0x2] =	stream.linear.gather [hbm4b:s9+s3], $0x10000, $0x38;
	[tilespmem:$0x18000] =	vst v63  }
0x10: {  	s14 =	sshrl.u32 s13, $0x1;
	_ =	swait.ge [sflag:s7], $0x10000  }
0x11: {  	s13 =	ssub.s32 s13, s14;
	[sflag:s7] =	ssyncset.done $0x0  }
0x12: {  	s11 =	simm.s32 $0x1;
	s13 =	smax.u32 s13, $0x1;
	[sflag:s7] =	ssyncadd.s32 $0xFFFF0000  }
0x13: {  	p0 =	sne.s32 s13, $0x1;
	_ =	swait.ge [sflag:s11], $0x4000  }
.Ltmp0:
0x14: {  	[sflag:s11] =	ssyncset.done $0x0;
	(pc) =	sbr.rel @!p0 .LBB2_2-.Ltmp0, $4  }
0x15: {  	s12 =	sadd.s32 $0x12C00, s12;
	[sflag:s11] =	ssyncadd.s32 $0xFFFFC000  }
0x16: {  	[hbm4b:s12+s8] =	stream.indirect.scatter [tilespmem:s8], [sflag:$0x1], $0x1, s3, s8, $0xb8;
	[tilespmem:$0x18000] =	vst v63  }
0x17: {  	_ =	swait.ge [sflag:s11], $0x4000  }
0x18: {  	s13 =	sadd.s32 $0xFFFFFFFF, s13;
	[sflag:s11] =	ssyncset.done $0x0  }
.LBB2_1:
0x19: {  	p0 =	sne.s32 s13, $0x1;
	s13 =	sadd.s32 $0xFFFFFFFF, s13;
	[sflag:s11] =	ssyncadd.s32 $0xFFFFC000  }
0x1a: {  	[tilespmem:s3], [sflag:$0x2] =	stream.strided.gather [hbm4b:s4+s5], $0x4000, s6, s5, $0x38;
	[tilespmem:$0x18000] =	vst v63  }
0x1b: {  	_ =	swait.ge [sflag:s7], $0x4000  }
0x1c: {  	[sflag:s7] =	ssyncset.done $0x0  }
0x1d: {  	[sflag:s7] =	ssyncadd.s32 $0xFFFFC000  }
0x1e: {  	[tilespmem:s8], [sflag:$0x1] =	stream.indirect.gather [hbm4b:s2+s8], $0x1, s3, s8, $0xb8;
	[tilespmem:$0x18000] =	vst v63  }
0x1f: {  	_ = 	snop  }
0x20: {  	[tilespmem:s10], [sflag:$0x2] =	stream.linear.gather [hbm4b:s9+s3], $0x10000, $0x38;
	[tilespmem:$0x18000] =	vst v63  }
0x21: {  	_ =	swait.ge [sflag:s7], $0x10000  }
0x22: {  	[sflag:s7] =	ssyncset.done $0x0  }
0x23: {  	[sflag:s7] =	ssyncadd.s32 $0xFFFF0000  }
0x24: {  	_ =	swait.ge [sflag:s11], $0x4000  }
.Ltmp1:
0x25: {  	[sflag:s11] =	ssyncset.done $0x0;
	(pc) =	sbr.rel @p0 .LBB2_1-.Ltmp1, $4  }
0x26: {  	[sflag:s11] =	ssyncadd.s32 $0xFFFFC000  }
0x27: {  	[hbm4b:s12+s8] =	stream.indirect.scatter [tilespmem:s8], [sflag:$0x1], $0x1, s3, s8, $0xb8;
	[tilespmem:$0x18000] =	vst v63  }
0x28: {  	_ =	swait.ge [sflag:s11], $0x4000  }
0x29: {  	[sflag:s11] =	ssyncset.done $0x0  }
.LBB2_2:
0x2a: {  	[sflag:s11] =	ssyncadd.s32 $0xFFFFC000  }
0x2b: {  	_ =	sfence.sel $0x180000  }
0x2c: {  	[bflag:$0x0] =	sbarrier.arrive $0xFFFF  }
0x2d: {  	p0 =	sne.s32 s1, $0x0;
	_ =	strace $0x9000004A  }
0x2e: {  	s0 =	sadd.s32 @!p0 $0x100000, s0;
	[bflag:$0x2] =	sbarrier.arrive $0xFFFF  }
0x2f: {  	[sflag:s0] =	ssyncadd.tile.s32 @!p0 $0x1;
	_ =	shalt  }
.Lfunc_end2:
_tile_overlayer_lowered:
.L_overlay_start_2:
0x30: {  	(tag) =	ssettag $0x2  }
0x31: {  	s0 =	rddreg [dreg:$0x0];
	s2 =	stileid.u32  }
0x32: {  	s1 =	rddreg [dreg:$0x1];
	p0 =	sne.s32 s2, $0x0  }
0x33: {  	s3 =	rddreg [dreg:$0x2];
	[bflag:$0x3] =	sbarrier.arrive $0xFFFF;
	s2 =	simm.s32 @!p0 $0x1C02  }
0x34: {  	[timem:s3], [sflag:s2] =	dma.local @!p0 [hbm:s0], s1  }
0x35: {  	s0 =	simm.s32 @!p0 $0x2  }
0x36: {  	_ =	swait.ge @!p0 [sflag:s0], s1  }
0x37: {  	s1 =	ssub.s32 @!p0 $0x0, s1;
	[sflag:s0] =	ssyncset.done @!p0 $0x0  }
0x38: {  	[sflag:s0] =	ssyncadd.s32 @!p0 s1  }
0x39: {  	[bflag:$0x3] =	sbarrier.arrive $0xFFFF  }
0x3a: {  	_ =	shalt  }

// kernel: sparse-core-data-format-call.cloned.1.call-start
scs
called_computation_lowered:
.L_overlay_start_0:
0x0: {  	s2 =	sld [smem:$0x3FD9]  }
0x1: {  	s3 =	sld [smem:$0x3FFE];
	_ =	sdelay $0x1  }
0x2: {  	s1 =	srdreg.scid  }
0x3: {  	s0 =	sand.u32 $0x1, s1  }
0x4: {  	s16 =	sshll.u32 s0, $0xA;
	s2 =	sadd.s32 s3, s2  }
0x5: {  	s2 =	sadd.s32 s2, s16  }
0x6: {  	[smem:$0x3FC7] =	sst s2  }
0x7: {  	_ = 	snop  }
0x8: {  	s2 =	sld [smem:$0x3FD0];
	_ =	sdelay $0x2  }
0x9: {  	s4 =	simm.s32 $0xA;
	s5 =	simm.s32 $0x10;
	s17 =	sld [smem:$0x3FC9]  }
0xa: {  	[smem:s5], [sflag:s4] =	dma.local [hbm:s2], $0x1  }
0xb: {  	_ =	swait.eq [sflag:s4], $0x1  }
0xc: {  	[sflag:s4] =	ssyncset.done $0x0  }
0xd: {  	[sflag:s4] =	ssyncadd.s32 $0xFFFFFFFF  }
0xe: {  	s18 =	sld [smem:$0x10];
	(tm) =	ssettm $0x1  }
0xf: {  	s19 =	sld [smem:$0x3FFB];
	_ =	sdelay $0x3  }
0x10: {  	_ =	strace s19  }
0x11: {  	s4 =	sld [smem:$0x3FFC];
	_ =	sdelay $0x3  }
0x12: {  	_ =	strace s4  }
0x13: {  	s4 =	sld [smem:$0x3FFD];
	_ =	sdelay $0x3  }
0x14: {  	_ =	strace s4  }
0x15: {  	_ =	strace $0x8FFFFFFF  }
0x16: {  	s20 =	sld [smem:$0x3FDB];
	_ =	sdelay $0x1  }
0x17: {  	s21 =	simm.s32 $_scs_section_size  }
0x18: {  	s6 =	simm.s32 $_size__tile_overlayer_lowered;
	s7 =	simm.s32 $_tile_overlayer_lowered  }
0x19: {  	s24 =	simm.s32 $0x1BFF;
	s23 =	sshll.u32 s7, $0x1;
	s4 =	sadd.s32 s21, s20  }
0x1a: {  	s8 =	simm.s32 $0x0;
	s22 =	sshll.u32 s6, $0x1;
	s6 =	sadd.s32 s23, s4  }
0x1b: {  	[timem:s8], [sflag:s24] =	dma.local [hbm:s6], s22  }
0x1c: {  	_ =	swait.ge [sflag:s24], s22  }
0x1d: {  	s5 =	ssub.s32 $0x0, s22;
	[sflag:s24] =	ssyncset.done $0x0  }
0x1e: {  	[sflag:s24] =	ssyncadd.s32 s5;
	_ =	sdelay $0x1  }
0x1f: {  	s25 =	simm.s32 $0x1B8B  }
0x20: {  	_ =	swait.ge [sflag:s25], $0x1  }
0x21: {  	[sflag:s25] =	ssyncset.done $0x0  }
0x22: {  	s26 =	simm.s32 $0x1B8E;
	[sflag:s25] =	ssyncadd.s32 $0xFFFFFFFF  }
0x23: {  	s27 =	simm.s32 $execute0_lowered;
	[smem:$0x3FD2] =	sst s26  }
0x24: {  	s5 =	sshll.u32 s27, $0x1;
	_ =	strace $0x80000046;
	[dreg:$0x1] =	wrdreg $0xFFFFFFFF  }
0x25: {  	s28 =	simm.s32 $_size_execute0_lowered;
	s4 =	sadd.s32 s4, s5;
	[dreg:$0x0] =	wrdreg $0x0  }
0x26: {  	s5 =	sshll.u32 s28, $0x1;
	[dreg:$0x2] =	wrdreg s4  }
0x27: {  	[dreg:$0x3] =	wrdreg s5  }
0x28: {  	[dreg:$0x4] =	wrdreg $0xC0  }
0x29: {  	_ =	task [dreg:s8], $0x5FFFF  }
0x2a: {  	[dreg:$0x1] =	wrdreg $0xFFFFFFFF  }
0x2b: {  	[dreg:$0x0] =	wrdreg $0x60  }
0x2c: {  	[dreg:$0x2] =	wrdreg s17  }
0x2d: {  	[dreg:$0x3] =	wrdreg s18  }
0x2e: {  	[dreg:$0x4] =	wrdreg $0x9  }
0x2f: {  	_ =	task.clear_ibuf [dreg:s8], $0x5FFFF;
	_ =	strace $0x90000046  }
0x30: {  	s29 =	simm.s32 $0x9;
	_ =	strace $0x80000048  }
0x31: {  	_ =	swait.ge [sflag:s29], $0x1  }
0x32: {  	[sflag:s29] =	ssyncadd.s32 $0xFFFFFFFF  }
0x33: {  	_ =	strace $0x90000048  }
0x34: {  	_ =	sfence  }
0x35: {  	s30 =	sld [smem:$0x0];
	_ =	sdelay $0x2  }
0x36: {  	s31 =	sshll.u32 s1, $0xD;
	s1 =	sshrl.u32 s1, $0x2  }
0x37: {  	s3 =	sand.u32 $0x4000, s31;
	s1 =	sadd.s32 s1, s30  }
0x38: {  	s0 =	sor.u32 s3, s0;
	s1 =	sshll.u32 s1, $0x11  }
0x39: {  	s0 =	sor.u32 s1, s0  }
0x3a: {  	s0 =	sadd.s32 $0x8F2B, s0  }
0x3b: {  	[sflag:s0] =	ssyncadd.remote.s32 $0x1  }
0x3c: {  	_ =	sfence.sel $0xFFFF  }
0x3d: {  	[dreg:$0x0] =	wrdreg $0xFFFFFFFF;
	(pc) =	sbr.abs _section_cstart, $3  }
0x3e: {  	[dreg:$0x1] =	wrdreg $0xFFFFFFFF  }
0x3f: {  	_ =	task.clear_ibuf [dreg:s8], $0x2FFFF;
	_ =	strace $0x9FFFFFFF  }
0x40: {  	(tm) =	ssettm $0x7FFFFFFF  }
0x41: {  	_ =	shalt  }
tec
execute0_lowered:
.L_overlay_start_1:
0x0: {  	(tag) =	ssettag $0x1  }
0x1: {  	s0 =	srdreg.scid  }
0x2: {  	s1 =	sshll.u32 s0, $0x4  }
0x3: {  	s2 =	rddreg [dreg:$0x0];
	s0 =	stileid.u32;
	s1 =	sand.u32 $0x10, s1  }
0x4: {  	s4 =	rddreg [dreg:$0x1];
	s1 =	sor.u32 s0, s1  }
0x5: {  	s7 =	simm.s32 $0x1;
	s8 =	simm.s32 $0x2;
	s3 =	sshll.u32 s1, $0x2  }
0x6: {  	s9 =	simm.s32 $0x0;
	s12 =	simm.s32 $0x0;
	s6 =	ssub.s32 $0x2000, s3  }
.Ltmp0:
0x7: {  	s11 =	simm.s32 $0x0;
	s5 =	sand.u32 $0x7C, s6;
	(pc) =	sbr.rel .LBB1_1-.Ltmp0, $4  }
0x8: {  	s1 =	rddreg [dreg:$0x2];
	_ =	strace $0x80000047;
	p0 =	sne.s32 s5, $0x0  }
0x9: {  	s6 =	sshrl.u32 s6, $0x7;
	s5 =	simm.s32 $0x1;
	s7 =	simm.s32 @!p0 $0x0  }
0xa: {  	s10 =	smov.u32 s3;
	[sflag:s5] =	ssyncpa.u1 $0x0;
	s6 =	sadd.s32 s7, s6  }
0xb: {  	[sflag:s8] =	ssyncpa.u1 $0x0;
	s8 =	simm.s32 $0x0;
	s7 =	sadd.s32 $0x1, s6  }
.LBB1_9:
0xc: {  	s14 =	sadd.s32 $0x80, s10  }
0xd: {  	p1 =	sgt.s32 s14, $0x1FFF  }
0xe: {  	s14 =	smov.u32 @p1 s3;
	p1 =	sne.s32 s11, s7  }
.Ltmp1:
0xf: {  	p0 =	slt.u32 s11, $0x2;
	(pc) =	sbr.rel @!p1 .LBB1_10-.Ltmp1, $4  }
0x10: {  	s13 =	simm.s32 @!p0 $0x2  }
0x11: {  	s15 =	sadd.s32 $0x1, s11;
	_ =	swait.ge @!p0 [sflag:s13], $0x4000  }
0x12: {  	s12 =	smov.u32 s10;
	s9 =	sadd.s32 $0x4000, s9;
	[sflag:s13] =	ssyncset.done @!p0 $0x0  }
0x13: {  	s11 =	smov.u32 s15;
	s10 =	smov.u32 s14;
	[sflag:s13] =	ssyncadd.s32 @!p0 $0xFFFFC000  }
.LBB1_1:
0x14: {  	p0 =	sge.u32 s11, s6  }
0x15: {  	s13 =	sxor.u32 @!p0 $0xFFFFFFFF, s11  }
0x16: {  	s31 =	sadd.s32 $0xFFFFFFFF, s11;
	s14 =	sshll.u32 @!p0 s10, $0x9;
	s13 =	sshll.u32 @!p0 s13, $0xE  }
0x17: {  	s15 =	simm.s32 @!p0 $0x0;
	s14 =	sadd.s32 @!p0 s2, s14;
	s13 =	sand.u32 @!p0 $0x4000, s13  }
0x18: {  	[tilespmem:s13], [sflag:$0x1] =	stream.linear.gather @!p0 [hbm4b:s14+s15], $0x4000, $0x38;
	[tilespmem:$0x10000] =	vst v63  }
0x19: {  	p0 =	sge.u32 s31, s6  }
.Ltmp2:
0x1a: {  	_ = 	snop;
	(pc) =	sbr.rel @p0 .LBB1_9-.Ltmp2, $1  }
0x1b: {  	_ =	sdelay $0x3  }
0x1c: {  	s14 =	sand.u32 $0x4000, s9  }
0x1d: {  	_ =	swait.ge [sflag:s5], $0x4000;
	s15 =	sshll.u32 s11, $0xE;
	s16 =	simm.s32 $0x0  }
0x1e: {  	s13 =	sor.u32 $0x40, s14;
	[sflag:s5] =	ssyncset.done $0x0;
	s15 =	sand.u32 $0x4000, s15  }
0x1f: {  	s14 =	sor.u32 $0x8040, s14;
	[sflag:s5] =	ssyncadd.s32 $0xFFFFC000;
	s15 =	sor.u32 $0x8000, s15  }
.LBB1_3:
0x20: {  	s17 =	smov.u32 s14;
	s18 =	smov.u32 s13;
	s19 =	simm.s32 $0x0  }
.LBB1_4:
0x21: {  	v0 =	vmov s17;
	v2 =	vld [tilespmem:s18+$0x30]  }
0x22: {  	v4 =	vld [tilespmem:s18+$0xFFFFFFD0]  }
0x23: {  	v6 =	vld [tilespmem:s18+$0xFFFFFFE0]  }
0x24: {  	v7 =	vld [tilespmem:s18+$0xFFFFFFF0]  }
0x25: {  	s20 =	simm.s32 $0x0;
	v1 =	vld [tilespmem:s18+$0x0]  }
0x26: {  	v3 =	vld [tilespmem:s18+$0x10];
	[tilespmem:v0+s20+$0x30 ss:$0x1] =	vst.idx.msk $0xffff, v2  }
0x27: {  	v5 =	vld [tilespmem:s18+$0x20];
	[tilespmem:v0+s20+$0xFFFFFFD0 ss:$0x1] =	vst.idx.msk $0xffff, v4  }
0x28: {  	s21 =	sadd.s32 $0x80, s18;
	v2 =	vld [tilespmem:s18+$0xFFFFFFC0];
	[tilespmem:v0+s20+$0xFFFFFFE0 ss:$0x1] =	vst.idx.msk $0xffff, v6  }
0x29: {  	s22 =	simm.s32 $0x800;
	s23 =	simm.s32 $0x1000;
	v4 =	vld [tilespmem:s21+$0x30];
	[tilespmem:v0+s20+$0xFFFFFFF0 ss:$0x1] =	vst.idx.msk $0xffff, v7  }
.LBB1_5:
0x2a: {  	p0 =	sne.s32 s23, $0x3800;
	v6 =	vld [tilespmem:s21+$0xFFFFFFD0];
	[tilespmem:v0+s20+$0x0 ss:$0x1] =	vst.idx.msk $0xffff, v1  }
0x2b: {  	v7 =	vld [tilespmem:s21+$0xFFFFFFE0];
	[tilespmem:v0+s20+$0x10 ss:$0x1] =	vst.idx.msk $0xffff, v3  }
0x2c: {  	v8 =	vld [tilespmem:s21+$0xFFFFFFF0];
	[tilespmem:v0+s20+$0x20 ss:$0x1] =	vst.idx.msk $0xffff, v5  }
.Ltmp3:
0x2d: {  	v1 =	vld [tilespmem:s21+$0x0];
	[tilespmem:v0+s20+$0xFFFFFFC0 ss:$0x1] =	vst.idx.msk $0xffff, v2;
	s20 =	sshra.s32 s22, $0x2;
	s22 =	smov.u32 s23;
	(pc) =	sbr.rel @p0 .LBB1_5-.Ltmp3, $4  }
0x2e: {  	v3 =	vld [tilespmem:s21+$0x10];
	[tilespmem:v0+s20+$0x30 ss:$0x1] =	vst.idx.msk $0xffff, v4  }
0x2f: {  	[tilespmem:v0+s20+$0xFFFFFFD0 ss:$0x1] =	vst.idx.msk $0xffff, v6;
	v5 =	vld [tilespmem:s21+$0x20]  }
0x30: {  	v2 =	vld [tilespmem:s21+$0xFFFFFFC0];
	[tilespmem:v0+s20+$0xFFFFFFE0 ss:$0x1] =	vst.idx.msk $0xffff, v7;
	s21 =	sadd.s32 $0x80, s21  }
0x31: {  	s23 =	sadd.s32 $0x800, s23;
	v4 =	vld [tilespmem:s21+$0x30];
	[tilespmem:v0+s20+$0xFFFFFFF0 ss:$0x1] =	vst.idx.msk $0xffff, v8  }
0x32: {  	_ =	sdelay $0x3  }
0x33: {  	v6 =	vld [tilespmem:s21+$0xFFFFFFD0];
	[tilespmem:v0+s20+$0x0 ss:$0x1] =	vst.idx.msk $0xffff, v1  }
0x34: {  	v58 =	vld [tilespmem:s21+$0xFFFFFFE0];
	[tilespmem:v0+s20+$0x10 ss:$0x1] =	vst.idx.msk $0xffff, v3  }
0x35: {  	v59 =	vld [tilespmem:s21+$0xFFFFFFF0];
	[tilespmem:v0+s20+$0x20 ss:$0x1] =	vst.idx.msk $0xffff, v5  }
0x36: {  	s22 =	sshra.s32 s22, $0x2;
	v60 =	vld [tilespmem:s21+$0x0];
	[tilespmem:v0+s20+$0xFFFFFFC0 ss:$0x1] =	vst.idx.msk $0xffff, v2  }
0x37: {  	v61 =	vld [tilespmem:s21+$0x10];
	[tilespmem:v0+s22+$0x30 ss:$0x1] =	vst.idx.msk $0xffff, v4  }
0x38: {  	v62 =	vld [tilespmem:s21+$0x20];
	s19 =	sadd.s32 $0x1, s19;
	[tilespmem:v0+s22+$0xFFFFFFD0 ss:$0x1] =	vst.idx.msk $0xffff, v6  }
0x39: {  	v63 =	vld [tilespmem:s21+$0xFFFFFFC0];
	p0 =	sne.s32 s19, $0x4;
	[tilespmem:v0+s22+$0xFFFFFFE0 ss:$0x1] =	vst.idx.msk $0xffff, v58  }
.Ltmp4:
0x3a: {  	[tilespmem:v0+s22+$0xFFFFFFF0 ss:$0x1] =	vst.idx.msk $0xffff, v59;
	(pc) =	sbr.rel @p0 .LBB1_4-.Ltmp4, $4  }
0x3b: {  	[tilespmem:v0+s22+$0x0 ss:$0x1] =	vst.idx.msk $0xffff, v60  }
0x3c: {  	[tilespmem:v0+s22+$0x10 ss:$0x1] =	vst.idx.msk $0xffff, v61  }
0x3d: {  	[tilespmem:v0+s22+$0x20 ss:$0x1] =	vst.idx.msk $0xffff, v62  }
0x3e: {  	s18 =	sadd.s32 $0x400, s18;
	s17 =	sadd.s32 $0x80, s17;
	[tilespmem:v0+s22+$0xFFFFFFC0 ss:$0x1] =	vst.idx.msk $0xffff, v63  }
0x3f: {  	s16 =	sadd.s32 $0x1, s16  }
0x40: {  	p0 =	sne.s32 s16, $0x4  }
.Ltmp5:
0x41: {  	_ = 	snop;
	(pc) =	sbr.rel @p0 .LBB1_3-.Ltmp5, $2  }
0x42: {  	_ =	sdelay $0x2  }
0x43: {  	s13 =	sadd.s32 $0x1000, s13;
	s14 =	sadd.s32 $0x1000, s14  }
.Ltmp6:
0x44: {  	(pc) =	sbr.rel .LBB1_9-.Ltmp6, $4  }
0x45: {  	_ = 	snop  }
0x46: {  	s12 =	sshll.u32 s12, $0x9  }
0x47: {  	s12 =	sadd.s32 s4, s12  }
0x48: {  	[hbm4b:s12+s8] =	stream.linear.scatter [tilespmem:s15], [sflag:$0x2], $0x4000, $0x38;
	[tilespmem:$0x10000] =	vst v63  }
.LBB1_10:
0x49: {  	_ =	sfence.sel $0x180000  }
0x4a: {  	s2 =	simm.s32 $0x1;
	[bflag:$0x0] =	sbarrier.arrive $0xFFFF  }
0x4b: {  	s31 =	simm.s32 $0x2;
	[sflag:s2] =	ssyncpa.u1 $0x1  }
0x4c: {  	[sflag:s31] =	ssyncpa.u1 $0x1  }
0x4d: {  	p0 =	sne.s32 s0, $0x0;
	_ =	strace $0x90000047  }
0x4e: {  	s0 =	sadd.s32 @!p0 $0x100000, s1;
	[bflag:$0x2] =	sbarrier.arrive $0xFFFF  }
0x4f: {  	[sflag:s0] =	ssyncadd.tile.s32 @!p0 $0x1;
	_ =	shalt  }
.Lfunc_end1:
_tile_overlayer_lowered:
.L_overlay_start_2:
0x50: {  	(tag) =	ssettag $0x2  }
0x51: {  	s0 =	rddreg [dreg:$0x0];
	s2 =	stileid.u32  }
0x52: {  	s1 =	rddreg [dreg:$0x1];
	p0 =	sne.s32 s2, $0x0  }
0x53: {  	s3 =	rddreg [dreg:$0x2];
	[bflag:$0x3] =	sbarrier.arrive $0xFFFF;
	s2 =	simm.s32 @!p0 $0x1C01  }
0x54: {  	[timem:s3], [sflag:s2] =	dma.local @!p0 [hbm:s0], s1  }
0x55: {  	s0 =	simm.s32 @!p0 $0x1  }
0x56: {  	_ =	swait.ge @!p0 [sflag:s0], s1  }
0x57: {  	s1 =	ssub.s32 @!p0 $0x0, s1;
	[sflag:s0] =	ssyncset.done @!p0 $0x0  }
0x58: {  	[sflag:s0] =	ssyncadd.s32 @!p0 s1  }
0x59: {  	[bflag:$0x3] =	sbarrier.arrive $0xFFFF  }
0x5a: {  	_ =	shalt  }

</sc_bundles>
